<compile_context>
chip_gen: v7x
topology: tpu7x:2x2x1
jax: 0.10.2.dev20260603
libtpu: 0.0.44.dev20260713+nightly
codegen_flags: <defaults>
</compile_context>

<pallas_src>
import functools

import jax
import jax.numpy as jnp
from jax import lax
from jax.experimental import pallas as pl
from jax.experimental.pallas import tpu as pltpu
from jax.experimental.pallas import tpu_sc as plsc

NUM_WORKERS = 32
CHUNK = 128
LANES = 16


def _sc_segment_sum(x, packed_w, n_pad, d_in):
    n_chunks = packed_w.shape[1]
    rows_per_tile = n_pad // 16
    deg_rows = n_pad // CHUNK + 1

    mesh = plsc.VectorSubcoreMesh(core_axis_name="c", subcore_axis_name="s")

    @functools.partial(
        pl.kernel,
        out_type=[
            jax.ShapeDtypeStruct((2, n_pad, d_in), jnp.float32),
            jax.ShapeDtypeStruct((2, deg_rows, CHUNK), jnp.float32),
        ],
        mesh=mesh,
        compiler_params=pltpu.CompilerParams(needs_layout_passes=False),
        scratch_types=[
            pltpu.VMEM((n_chunks, CHUNK), jnp.int32),
            pltpu.VMEM((CHUNK,), jnp.int32),
            pltpu.VMEM((CHUNK,), jnp.int32),
            pltpu.VMEM((CHUNK, d_in), jnp.float32),
            pltpu.VMEM((deg_rows, CHUNK), jnp.float32),
            pltpu.VMEM((deg_rows,), jnp.int32),
            pltpu.VMEM_SHARED((n_pad, d_in), jnp.float32),
            pltpu.VMEM_SHARED((deg_rows, CHUNK), jnp.float32),
            pltpu.SemaphoreType.DMA,
        ],
    )
    def sc_kernel(x_hbm, packed_hbm, zrow_hbm, zdeg_hbm,
                  agg_out, deg_out,
                  packed_v, src_v, dst_v, rows_v, deg_v, iota_v, agg_sh,
                  deg_sh, sem):
        c = lax.axis_index("c")
        s = lax.axis_index("s")
        wid = s * 2 + c

        pltpu.sync_copy(packed_hbm.at[wid], packed_v)
        pltpu.sync_copy(zdeg_hbm, deg_v)
        iota16 = lax.iota(jnp.int32, LANES)
        for g in range(deg_rows // LANES + 1):
            if g * LANES + LANES <= deg_rows:
                iota_v[pl.ds(g * LANES, LANES)] = iota16 + g * LANES

        cnt0, _ = plsc.scan_count(jnp.zeros((LANES,), jnp.int32))
        delta = LANES - jnp.max(cnt0)

        r0 = s * rows_per_tile
        pltpu.sync_copy(zrow_hbm.at[pl.ds(r0, rows_per_tile)],
                        agg_sh.at[pl.ds(r0, rows_per_tile)])

        @pl.when(s == 0)
        def _():
            pltpu.sync_copy(zdeg_hbm, deg_sh)

        plsc.subcore_barrier()

        def body(j, carry):
            def unpack(g, carry2):
                packed = packed_v[j, pl.ds(g * LANES, LANES)]
                src16 = packed & 0xFFFF
                dst16 = lax.shift_right_logical(packed, 16)
                src_v[pl.ds(g * LANES, LANES)] = src16
                dst_v[pl.ds(g * LANES, LANES)] = dst16
                cnt, last = plsc.scan_count(dst16)
                plsc.addupdate_scatter(
                    deg_v,
                    [lax.shift_right_logical(dst16, 7), dst16 & 0x7F],
                    (cnt + delta).astype(jnp.float32),
                    mask=last,
                )
                return carry2

            lax.fori_loop(0, CHUNK // LANES, unpack, 0)
            pltpu.async_copy(x_hbm.at[src_v], rows_v, sem).wait()
            pltpu.sync_copy(rows_v, agg_sh.at[dst_v], add=True)
            return carry

        lax.fori_loop(0, n_chunks, body, 0)
        pltpu.sync_copy(deg_v, deg_sh.at[iota_v], add=True)
        plsc.subcore_barrier()

        pltpu.sync_copy(agg_sh.at[pl.ds(r0, rows_per_tile)],
                        agg_out.at[c, pl.ds(r0, rows_per_tile)])

        @pl.when(s == 0)
        def _():
            pltpu.sync_copy(deg_sh, deg_out.at[c])

    zrow = jnp.zeros((n_pad, d_in), jnp.float32)
    zdeg = jnp.zeros((deg_rows, CHUNK), jnp.float32)
    return sc_kernel(x, packed_w, zrow, zdeg)


def _tc_finish(x, a0, a1, d0, d1, W_src, b_src, W_fc, b_fc, blk):
    n, d_in = x.shape
    d_out = W_fc.shape[1]

    def tc_kernel(x_ref, a0_ref, a1_ref, d0_ref, d1_ref,
                  ws_ref, bs_ref, wf_ref, bf_ref, o_ref):
        deg = d0_ref[...] + d1_ref[...]
        degc = jnp.maximum(deg, 1.0)
        agg = a0_ref[...] + a1_ref[...]
        msum = jnp.dot(agg, ws_ref[...], preferred_element_type=jnp.float32)
        msum = msum + deg * bs_ref[...]
        neigh = msum / degc
        wf = wf_ref[...]
        h = jnp.dot(x_ref[...], wf[:d_in], preferred_element_type=jnp.float32)
        h = h + jnp.dot(neigh, wf[d_in:], preferred_element_type=jnp.float32)
        o_ref[...] = h + bf_ref[...]

    return pl.pallas_call(
        tc_kernel,
        grid=(n // blk,),
        in_specs=[
            pl.BlockSpec((blk, d_in), lambda i: (i, 0)),
            pl.BlockSpec((blk, d_in), lambda i: (i, 0)),
            pl.BlockSpec((blk, d_in), lambda i: (i, 0)),
            pl.BlockSpec((blk, 1), lambda i: (i, 0)),
            pl.BlockSpec((blk, 1), lambda i: (i, 0)),
            pl.BlockSpec((d_in, d_in), lambda i: (0, 0)),
            pl.BlockSpec((1, d_in), lambda i: (0, 0)),
            pl.BlockSpec((2 * d_in, d_out), lambda i: (0, 0)),
            pl.BlockSpec((1, d_out), lambda i: (0, 0)),
        ],
        out_specs=pl.BlockSpec((blk, d_out), lambda i: (i, 0)),
        out_shape=jax.ShapeDtypeStruct((n, d_out), jnp.float32),
    )(x, a0, a1, d0, d1, W_src, b_src.reshape(1, d_in), W_fc,
      b_fc.reshape(1, d_out))


def kernel(x, edge_index, W_src, b_src, W_fc, b_fc):
    n, d_in = x.shape
    e = edge_index.shape[1]
    assert e % NUM_WORKERS == 0 and n < (1 << 16)
    ew = e // NUM_WORKERS
    n_chunks = -(-ew // CHUNK)
    n_chunks += n_chunks % 2
    ewp = n_chunks * CHUNK
    n_pad = -(-(n + 1) // 128) * 128

    src = edge_index[0].astype(jnp.int32)
    dst = edge_index[1].astype(jnp.int32)
    packed = src | (dst << 16)
    pad_word = jnp.int32(n << 16)
    packed_w = jnp.concatenate(
        [packed.reshape(NUM_WORKERS, ew),
         jnp.full((NUM_WORKERS, ewp - ew), pad_word, jnp.int32)], axis=1
    ).reshape(NUM_WORKERS, n_chunks, CHUNK)

    agg, degw = _sc_segment_sum(x, packed_w, n_pad, d_in)
    deg0 = degw[0].reshape(-1, 1)[:n]
    deg1 = degw[1].reshape(-1, 1)[:n]

    blk = 1000 if n % 1000 == 0 else 8
    return _tc_finish(
        x, agg[0, :n], agg[1, :n], deg0, deg1,
        W_src, b_src, W_fc, b_fc, blk,
    )

# --- scband reference (transcript-rebuilt; emitter-appended) ---
"""Pipeline reference for scband-sageconv-69423851373029 (READ-ONLY COPY).

The authoritative reference and input builder live on the scoring server;
editing this copy changes nothing except your own understanding.
"""

import jax, jax.numpy as jnp
import numpy as np

N = 10000
E = 320000
D_IN = 128
D_OUT = 128


def setup_inputs(seed: int = 0) -> dict:
    key = jax.random.key(seed)
    k1, k2, k3, k4, k5, k6 = jax.random.split(key, 6)
    x = jax.random.normal(k1, (N, D_IN), dtype=jnp.float32)
    edge_index = jax.random.randint(k2, (2, E), 0, N)
    # src_fc: Linear(D_IN, D_IN); fc: Linear(2*D_IN, D_OUT)
    W_src = jax.random.normal(k3, (D_IN, D_IN), dtype=jnp.float32) * (1.0 / np.sqrt(D_IN))
    b_src = jax.random.normal(k4, (D_IN,), dtype=jnp.float32) * 0.01
    W_fc = jax.random.normal(k5, (2 * D_IN, D_OUT), dtype=jnp.float32) * (1.0 / np.sqrt(2 * D_IN))
    b_fc = jax.random.normal(k6, (D_OUT,), dtype=jnp.float32) * 0.01
    return {"x": x, "edge_index": edge_index, "W_src": W_src, "b_src": b_src, "W_fc": W_fc, "b_fc": b_fc}


def reference(x, edge_index, W_src, b_src, W_fc, b_fc):
    # dropout layers are identity at inference (p=0.0)
    src = edge_index[0]
    dst = edge_index[1]
    # message: src_fc applied to gathered source features
    msg = jnp.take(x, src, axis=0) @ W_src + b_src  # [E, D_IN]
    # reduce: mailbox mean over incoming edges per dst node
    neigh_sum = jax.ops.segment_sum(msg, dst, num_segments=N)  # [N, D_IN]
    deg = jax.ops.segment_sum(jnp.ones((E,), dtype=jnp.float32), dst, num_segments=N)
    neigh = neigh_sum / jnp.clip(deg, 1.0, None)[:, None]
    # apply_node: concat(h_dst, neigh) -> fc -> identity activation
    h = jnp.concatenate([x, neigh], axis=-1) @ W_fc + b_fc  # [N, D_OUT]
    return h

if __name__ == "__main__":
    import jax
    _d = setup_inputs()
    print(jax.jit(kernel)(*tuple(_d.values())))

</pallas_src>

<mosaic_0001>
#map = affine_map<(d0, d1) -> (0, 0)>
#map1 = affine_map<(d0, d1) -> (0, 0, 0)>
module attributes {stable_mosaic.version = 14 : i64} {
  func.func @sc_kernel(%arg0: i32, %arg1: i32, %arg2: memref<10000x128xf32, #tpu.memory_space<hbm>>, %arg3: memref<32x80x128xi32, #tpu.memory_space<hbm>>, %arg4: memref<10112x128xf32, #tpu.memory_space<hbm>>, %arg5: memref<80x128xf32, #tpu.memory_space<hbm>>, %arg6: memref<2x10112x128xf32, #tpu.memory_space<hbm>>, %arg7: memref<2x80x128xf32, #tpu.memory_space<hbm>>, %arg8: memref<80x128xi32, #tpu.memory_space<vmem>>, %arg9: memref<128xi32, #tpu.memory_space<vmem>>, %arg10: memref<128xi32, #tpu.memory_space<vmem>>, %arg11: memref<128x128xf32, #tpu.memory_space<vmem>>, %arg12: memref<80x128xf32, #tpu.memory_space<vmem>>, %arg13: memref<80xi32, #tpu.memory_space<vmem>>, %arg14: memref<10112x128xf32, #tpu.memory_space<vmem_shared>>, %arg15: memref<80x128xf32, #tpu.memory_space<vmem_shared>>, %arg16: memref<!tpu.dma_semaphore, #tpu.memory_space<semaphore_mem>>) attributes {dimension_semantics = [#tpu.dimension_semantics<core_parallel>, #tpu.dimension_semantics<subcore_parallel>], iteration_bounds = array<i64: 2, 16>, scalar_prefetch = 0 : i64, scratch_operands = 9 : i64, tpu.core_type = #tpu.core_type<sc_vector_subcore>, window_params = [{transform_indices = #map}, {transform_indices = #map1}, {transform_indices = #map}, {transform_indices = #map}, {transform_indices = #map1}, {transform_indices = #map1}]} {
    %mul3A = arith.constant 2 : i32
    %mul3A_0 = arith.muli %arg1, %mul3A : i32
    %add3A = arith.addi %mul3A_0, %arg0 : i32
    "tpu.region"() ({
      %run_scoped3A = tpu.sem_alloc : memref<!tpu.dma_semaphore, #tpu.memory_space<semaphore_mem>>
      %dma_start3A = arith.constant 0 : i32
      %dma_start3A_52 = arith.constant 0 : i32
      %dma_start3A_53 = tpu.memref_slice %arg3[%add3A, %dma_start3A, %dma_start3A_52] : memref<32x80x128xi32, #tpu.memory_space<hbm>> -> memref<1x80x128xi32, #tpu.memory_space<hbm>>
      %dma_start3A_54 = tpu.memref_squeeze %dma_start3A_53 : memref<1x80x128xi32, #tpu.memory_space<hbm>> -> memref<80x128xi32, #tpu.memory_space<hbm>>
      %dma_start3A_55 = arith.constant 0 : i32
      %dma_start3A_56 = arith.constant 0 : i32
      %dma_start3A_57 = tpu.memref_slice %arg3[%add3A, %dma_start3A_55, %dma_start3A_56] : memref<32x80x128xi32, #tpu.memory_space<hbm>> -> memref<1x80x128xi32, #tpu.memory_space<hbm>>
      %dma_start3A_58 = tpu.memref_squeeze %dma_start3A_57 : memref<1x80x128xi32, #tpu.memory_space<hbm>> -> memref<80x128xi32, #tpu.memory_space<hbm>>
      tpu.enqueue_dma source(%dma_start3A_58 : memref<80x128xi32, #tpu.memory_space<hbm>>) target(%arg8 : memref<80x128xi32, #tpu.memory_space<vmem>>) target_semaphore(%run_scoped3A : memref<!tpu.dma_semaphore, #tpu.memory_space<semaphore_mem>>)
      %dma_wait3A = arith.constant 0 : i32
      %dma_wait3A_59 = arith.constant 0 : i32
      %dma_wait3A_60 = tpu.memref_slice %arg3[%add3A, %dma_wait3A, %dma_wait3A_59] : memref<32x80x128xi32, #tpu.memory_space<hbm>> -> memref<1x80x128xi32, #tpu.memory_space<hbm>>
      %dma_wait3A_61 = tpu.memref_squeeze %dma_wait3A_60 : memref<1x80x128xi32, #tpu.memory_space<hbm>> -> memref<80x128xi32, #tpu.memory_space<hbm>>
      %dma_wait3A_62 = arith.constant 0 : i32
      %dma_wait3A_63 = arith.constant 0 : i32
      %dma_wait3A_64 = tpu.memref_slice %arg3[%add3A, %dma_wait3A_62, %dma_wait3A_63] : memref<32x80x128xi32, #tpu.memory_space<hbm>> -> memref<1x80x128xi32, #tpu.memory_space<hbm>>
      %dma_wait3A_65 = tpu.memref_squeeze %dma_wait3A_64 : memref<1x80x128xi32, #tpu.memory_space<hbm>> -> memref<80x128xi32, #tpu.memory_space<hbm>>
      tpu.wait_dma2 semaphore(%run_scoped3A : memref<!tpu.dma_semaphore, #tpu.memory_space<semaphore_mem>>) src(%dma_wait3A_65 : memref<80x128xi32, #tpu.memory_space<hbm>>) dst(%arg8 : memref<80x128xi32, #tpu.memory_space<vmem>>)
      tpu.yield
    }) : () -> ()
    "tpu.region"() ({
      %run_scoped3A = tpu.sem_alloc : memref<!tpu.dma_semaphore, #tpu.memory_space<semaphore_mem>>
      tpu.enqueue_dma source(%arg5 : memref<80x128xf32, #tpu.memory_space<hbm>>) target(%arg12 : memref<80x128xf32, #tpu.memory_space<vmem>>) target_semaphore(%run_scoped3A : memref<!tpu.dma_semaphore, #tpu.memory_space<semaphore_mem>>)
      tpu.wait_dma2 semaphore(%run_scoped3A : memref<!tpu.dma_semaphore, #tpu.memory_space<semaphore_mem>>) src(%arg5 : memref<80x128xf32, #tpu.memory_space<hbm>>) dst(%arg12 : memref<80x128xf32, #tpu.memory_space<vmem>>)
      tpu.yield
    }) : () -> ()
    %iota3A = tpu.iota {dimensions = array<i32: 0>} : vector<16xi32>
    %add3A_1 = arith.constant 0 : i32
    %add3A_2 = vector.broadcast %add3A_1 : i32 to vector<16xi32>
    %add3A_3 = arith.addi %iota3A, %add3A_2 : vector<16xi32>
    %swap3A = arith.constant 0 : index
    %swap3A_4 = tpu.vector_load %arg13[%swap3A] {strides = array<i32>} : memref<80xi32, #tpu.memory_space<vmem>>, vector<16xi32>,
    tpu.vector_store %arg13[%swap3A], %add3A_3 {strides = array<i32>} : memref<80xi32, #tpu.memory_space<vmem>>, vector<16xi32>,
    %add3A_5 = arith.constant 16 : i32
    %add3A_6 = vector.broadcast %add3A_5 : i32 to vector<16xi32>
    %add3A_7 = arith.addi %iota3A, %add3A_6 : vector<16xi32>
    %swap3A_8 = arith.constant 16 : index
    %swap3A_9 = tpu.vector_load %arg13[%swap3A_8] {strides = array<i32>} : memref<80xi32, #tpu.memory_space<vmem>>, vector<16xi32>,
    tpu.vector_store %arg13[%swap3A_8], %add3A_7 {strides = array<i32>} : memref<80xi32, #tpu.memory_space<vmem>>, vector<16xi32>,
    %add3A_10 = arith.constant 32 : i32
    %add3A_11 = vector.broadcast %add3A_10 : i32 to vector<16xi32>
    %add3A_12 = arith.addi %iota3A, %add3A_11 : vector<16xi32>
    %swap3A_13 = arith.constant 32 : index
    %swap3A_14 = tpu.vector_load %arg13[%swap3A_13] {strides = array<i32>} : memref<80xi32, #tpu.memory_space<vmem>>, vector<16xi32>,
    tpu.vector_store %arg13[%swap3A_13], %add3A_12 {strides = array<i32>} : memref<80xi32, #tpu.memory_space<vmem>>, vector<16xi32>,
    %add3A_15 = arith.constant 48 : i32
    %add3A_16 = vector.broadcast %add3A_15 : i32 to vector<16xi32>
    %add3A_17 = arith.addi %iota3A, %add3A_16 : vector<16xi32>
    %swap3A_18 = arith.constant 48 : index
    %swap3A_19 = tpu.vector_load %arg13[%swap3A_18] {strides = array<i32>} : memref<80xi32, #tpu.memory_space<vmem>>, vector<16xi32>,
    tpu.vector_store %arg13[%swap3A_18], %add3A_17 {strides = array<i32>} : memref<80xi32, #tpu.memory_space<vmem>>, vector<16xi32>,
    %add3A_20 = arith.constant 64 : i32
    %add3A_21 = vector.broadcast %add3A_20 : i32 to vector<16xi32>
    %add3A_22 = arith.addi %iota3A, %add3A_21 : vector<16xi32>
    %swap3A_23 = arith.constant 64 : index
    %swap3A_24 = tpu.vector_load %arg13[%swap3A_23] {strides = array<i32>} : memref<80xi32, #tpu.memory_space<vmem>>, vector<16xi32>,
    tpu.vector_store %arg13[%swap3A_23], %add3A_22 {strides = array<i32>} : memref<80xi32, #tpu.memory_space<vmem>>, vector<16xi32>,
    %broadcast_in_dim3A = arith.constant 0 : i32
    %broadcast_in_dim3A_25 = vector.broadcast %broadcast_in_dim3A : i32 to vector<16xi32>
    %broadcast_in_dim3A_26 = arith.constant true
    %broadcast_in_dim3A_27 = vector.broadcast %broadcast_in_dim3A_26 : i1 to vector<16xi1>
    %unique3A, %unique3A_28 = tpu.scan_count mask(%broadcast_in_dim3A_27 : vector<16xi1>) value(%broadcast_in_dim3A_25 : vector<16xi32>) : vector<16xi1>, vector<16xi32>
    %reduce_max3A = arith.constant true
    %reduce_max3A_29 = vector.broadcast %reduce_max3A : i1 to vector<16xi1>
    %reduce_max3A_30 = arith.constant -2147483648 : i32
    %reduce_max3A_31 = vector.broadcast %reduce_max3A_30 : i32 to vector<16xi32>
    %reduce_max3A_32 = arith.xori %unique3A_28, %reduce_max3A_31 : vector<16xi32>
    %reduce_max3A_33 = tpu.scan <max>, %reduce_max3A_32 masked %reduce_max3A_29 : vector<16xi32>, vector<16xi1> -> vector<16xi32>
    %reduce_max3A_34 = arith.xori %reduce_max3A_33, %reduce_max3A_31 : vector<16xi32>
    %reduce_max3A_35 = vector.extract %reduce_max3A_34[15] : i32 from vector<16xi32>
    %sub3A = arith.constant 16 : i32
    %sub3A_36 = arith.subi %sub3A, %reduce_max3A_35 : i32
    %mul3A_37 = arith.constant 632 : i32
    %mul3A_38 = arith.muli %arg1, %mul3A_37 : i32
    "tpu.region"() ({
      %run_scoped3A = tpu.sem_alloc : memref<!tpu.dma_semaphore, #tpu.memory_space<semaphore_mem>>
      %dma_start3A = arith.constant 0 : i32
      %dma_start3A_52 = tpu.memref_slice %arg14[%mul3A_38, %dma_start3A] : memref<10112x128xf32, #tpu.memory_space<vmem_shared>> -> memref<632x128xf32, #tpu.memory_space<vmem_shared>>
      %dma_start3A_53 = arith.constant 0 : i32
      %dma_start3A_54 = tpu.memref_slice %arg4[%mul3A_38, %dma_start3A_53] : memref<10112x128xf32, #tpu.memory_space<hbm>> -> memref<632x128xf32, #tpu.memory_space<hbm>>
      tpu.enqueue_dma source(%dma_start3A_54 : memref<632x128xf32, #tpu.memory_space<hbm>>) target(%dma_start3A_52 : memref<632x128xf32, #tpu.memory_space<vmem_shared>>) target_semaphore(%run_scoped3A : memref<!tpu.dma_semaphore, #tpu.memory_space<semaphore_mem>>)
      %dma_wait3A = arith.constant 0 : i32
      %dma_wait3A_55 = tpu.memref_slice %arg14[%mul3A_38, %dma_wait3A] : memref<10112x128xf32, #tpu.memory_space<vmem_shared>> -> memref<632x128xf32, #tpu.memory_space<vmem_shared>>
      %dma_wait3A_56 = arith.constant 0 : i32
      %dma_wait3A_57 = tpu.memref_slice %arg4[%mul3A_38, %dma_wait3A_56] : memref<10112x128xf32, #tpu.memory_space<hbm>> -> memref<632x128xf32, #tpu.memory_space<hbm>>
      tpu.wait_dma2 semaphore(%run_scoped3A : memref<!tpu.dma_semaphore, #tpu.memory_space<semaphore_mem>>) src(%dma_wait3A_57 : memref<632x128xf32, #tpu.memory_space<hbm>>) dst(%dma_wait3A_55 : memref<632x128xf32, #tpu.memory_space<vmem_shared>>)
      tpu.yield
    }) : () -> ()
    %eq3A = arith.constant 0 : i32
    %eq3A_39 = arith.cmpi eq, %arg1, %eq3A : i32
    %convert_element_type3A = arith.extui %eq3A_39 : i1 to i32
    %cond3A = arith.constant 0 : i32
    %cond3A_40 = arith.cmpi ne, %convert_element_type3A, %cond3A : i32
    scf.if %cond3A_40 {
      "tpu.region"() ({
        %run_scoped3A = tpu.sem_alloc : memref<!tpu.dma_semaphore, #tpu.memory_space<semaphore_mem>>
        tpu.enqueue_dma source(%arg5 : memref<80x128xf32, #tpu.memory_space<hbm>>) target(%arg15 : memref<80x128xf32, #tpu.memory_space<vmem_shared>>) target_semaphore(%run_scoped3A : memref<!tpu.dma_semaphore, #tpu.memory_space<semaphore_mem>>)
        tpu.wait_dma2 semaphore(%run_scoped3A : memref<!tpu.dma_semaphore, #tpu.memory_space<semaphore_mem>>) src(%arg5 : memref<80x128xf32, #tpu.memory_space<hbm>>) dst(%arg15 : memref<80x128xf32, #tpu.memory_space<vmem_shared>>)
        tpu.yield
      }) : () -> ()
    } else {
    }
    %barrier3A = arith.constant 0 : index
    tpu.barrier barrier_id(%barrier3A)
    %scan3A = arith.constant 0 : i32
    %scan3A_41 = arith.constant 0 : i32
    %scan3A_42 = arith.constant 80 : i32
    %scan3A_43 = arith.addi %scan3A_41, %scan3A_42 : i32
    %scan3A_44 = arith.constant 1 : i32
    scf.for %scan3A_52 = %scan3A_41 to %scan3A_43 step %scan3A_44  : i32 {
      %scan3A_53 = arith.constant 0 : i32
      %scan3A_54 = arith.constant 0 : i32
      %scan3A_55 = arith.constant 8 : i32
      %scan3A_56 = arith.addi %scan3A_54, %scan3A_55 : i32
      %scan3A_57 = arith.constant 1 : i32
      scf.for %scan3A_63 = %scan3A_54 to %scan3A_56 step %scan3A_57  : i32 {
        %mul3A_64 = arith.constant 16 : i32
        %mul3A_65 = arith.muli %scan3A_63, %mul3A_64 : i32
        %get3A = arith.index_cast %scan3A_52 : i32 to index
        %get3A_66 = arith.index_cast %mul3A_65 : i32 to index
        %get3A_67 = tpu.vector_load %arg8[%get3A, %get3A_66] {strides = array<i32>} : memref<80x128xi32, #tpu.memory_space<vmem>>, vector<16xi32>,
        %and3A = arith.constant 65535 : i32
        %and3A_68 = vector.broadcast %and3A : i32 to vector<16xi32>
        %and3A_69 = arith.andi %get3A_67, %and3A_68 : vector<16xi32>
        %shift_right_logical3A = arith.constant 16 : i32
        %shift_right_logical3A_70 = vector.broadcast %shift_right_logical3A : i32 to vector<16xi32>
        %shift_right_logical3A_71 = arith.shrui %get3A_67, %shift_right_logical3A_70 : vector<16xi32>
        %mul3A_72 = arith.constant 16 : i32
        %mul3A_73 = arith.muli %scan3A_63, %mul3A_72 : i32
        %swap3A_74 = arith.index_cast %mul3A_73 : i32 to index
        %swap3A_75 = tpu.vector_load %arg9[%swap3A_74] {strides = array<i32>} : memref<128xi32, #tpu.memory_space<vmem>>, vector<16xi32>,
        tpu.vector_store %arg9[%swap3A_74], %and3A_69 {strides = array<i32>} : memref<128xi32, #tpu.memory_space<vmem>>, vector<16xi32>,
        %mul3A_76 = arith.constant 16 : i32
        %mul3A_77 = arith.muli %scan3A_63, %mul3A_76 : i32
        %swap3A_78 = arith.index_cast %mul3A_77 : i32 to index
        %swap3A_79 = tpu.vector_load %arg10[%swap3A_78] {strides = array<i32>} : memref<128xi32, #tpu.memory_space<vmem>>, vector<16xi32>,
        tpu.vector_store %arg10[%swap3A_78], %shift_right_logical3A_71 {strides = array<i32>} : memref<128xi32, #tpu.memory_space<vmem>>, vector<16xi32>,
        %broadcast_in_dim3A_80 = arith.constant true
        %broadcast_in_dim3A_81 = vector.broadcast %broadcast_in_dim3A_80 : i1 to vector<16xi1>
        %unique3A_82, %unique3A_83 = tpu.scan_count mask(%broadcast_in_dim3A_81 : vector<16xi1>) value(%shift_right_logical3A_71 : vector<16xi32>) : vector<16xi1>, vector<16xi32>
        %shift_right_logical3A_84 = arith.constant 7 : i32
        %shift_right_logical3A_85 = vector.broadcast %shift_right_logical3A_84 : i32 to vector<16xi32>
        %shift_right_logical3A_86 = arith.shrui %shift_right_logical3A_71, %shift_right_logical3A_85 : vector<16xi32>
        %and3A_87 = arith.constant 127 : i32
        %and3A_88 = vector.broadcast %and3A_87 : i32 to vector<16xi32>
        %and3A_89 = arith.andi %shift_right_logical3A_71, %and3A_88 : vector<16xi32>
        %add3A_90 = vector.broadcast %sub3A_36 : i32 to vector<16xi32>
        %add3A_91 = arith.addi %unique3A_83, %add3A_90 : vector<16xi32>
        %convert_element_type3A_92 = arith.sitofp %add3A_91 : vector<16xi32> to vector<16xf32>
        tpu.vector_store_idx %arg12[%shift_right_logical3A_86, %and3A_89], %convert_element_type3A_92 masked %unique3A_82 {add = true} : memref<80x128xf32, #tpu.memory_space<vmem>>[vector<16xi32>, vector<16xi32>], vector<16xf32>, vector<16xi1>
      }
      %scan3A_58 = arith.constant 8 : i32
      %dma_start3A = arith.constant 0 : i32
      %dma_start3A_59 = arith.constant 0 : i32
      %dma_start3A_60 = tpu.memref_slice %arg2[%dma_start3A, %dma_start3A_59] : memref<10000x128xf32, #tpu.memory_space<hbm>> -> memref<10000x128xf32, #tpu.memory_space<hbm>>
      tpu.enqueue_indirect_dma source(%dma_start3A_60 : memref<10000x128xf32, #tpu.memory_space<hbm>>) target(%arg11 : memref<128x128xf32, #tpu.memory_space<vmem>>) offsets(%arg9 : memref<128xi32, #tpu.memory_space<vmem>>) semaphore(%arg16 : memref<!tpu.dma_semaphore, #tpu.memory_space<semaphore_mem>>)
      %dma_wait3A = arith.constant 0 : i32
      %dma_wait3A_61 = arith.constant 0 : i32
      %dma_wait3A_62 = tpu.memref_slice %arg2[%dma_wait3A, %dma_wait3A_61] : memref<10000x128xf32, #tpu.memory_space<hbm>> -> memref<10000x128xf32, #tpu.memory_space<hbm>>
      tpu.wait_indirect_dma semaphore(%arg16 : memref<!tpu.dma_semaphore, #tpu.memory_space<semaphore_mem>>) src(%dma_wait3A_62 : memref<10000x128xf32, #tpu.memory_space<hbm>>) dst(%arg11 : memref<128x128xf32, #tpu.memory_space<vmem>>)
      "tpu.region"() ({
        %run_scoped3A = tpu.sem_alloc : memref<!tpu.dma_semaphore, #tpu.memory_space<semaphore_mem>>
        %dma_start3A_63 = arith.constant 0 : i32
        %dma_start3A_64 = arith.constant 0 : i32
        %dma_start3A_65 = tpu.memref_slice %arg14[%dma_start3A_63, %dma_start3A_64] : memref<10112x128xf32, #tpu.memory_space<vmem_shared>> -> memref<10112x128xf32, #tpu.memory_space<vmem_shared>>
        tpu.enqueue_indirect_dma source(%arg11 : memref<128x128xf32, #tpu.memory_space<vmem>>) target(%dma_start3A_65 : memref<10112x128xf32, #tpu.memory_space<vmem_shared>>) offsets(%arg10 : memref<128xi32, #tpu.memory_space<vmem>>) semaphore(%run_scoped3A : memref<!tpu.dma_semaphore, #tpu.memory_space<semaphore_mem>>) {add = true}
        %dma_wait3A_66 = arith.constant 0 : i32
        %dma_wait3A_67 = arith.constant 0 : i32
        %dma_wait3A_68 = tpu.memref_slice %arg14[%dma_wait3A_66, %dma_wait3A_67] : memref<10112x128xf32, #tpu.memory_space<vmem_shared>> -> memref<10112x128xf32, #tpu.memory_space<vmem_shared>>
        tpu.wait_indirect_dma semaphore(%run_scoped3A : memref<!tpu.dma_semaphore, #tpu.memory_space<semaphore_mem>>) src(%arg11 : memref<128x128xf32, #tpu.memory_space<vmem>>) dst(%dma_wait3A_68 : memref<10112x128xf32, #tpu.memory_space<vmem_shared>>)
        tpu.yield
      }) : () -> ()
    }
    %scan3A_45 = arith.constant 80 : i32
    "tpu.region"() ({
      %run_scoped3A = tpu.sem_alloc : memref<!tpu.dma_semaphore, #tpu.memory_space<semaphore_mem>>
      %dma_start3A = arith.constant 0 : i32
      %dma_start3A_52 = arith.constant 0 : i32
      %dma_start3A_53 = tpu.memref_slice %arg15[%dma_start3A, %dma_start3A_52] : memref<80x128xf32, #tpu.memory_space<vmem_shared>> -> memref<80x128xf32, #tpu.memory_space<vmem_shared>>
      tpu.enqueue_indirect_dma source(%arg12 : memref<80x128xf32, #tpu.memory_space<vmem>>) target(%dma_start3A_53 : memref<80x128xf32, #tpu.memory_space<vmem_shared>>) offsets(%arg13 : memref<80xi32, #tpu.memory_space<vmem>>) semaphore(%run_scoped3A : memref<!tpu.dma_semaphore, #tpu.memory_space<semaphore_mem>>) {add = true}
      %dma_wait3A = arith.constant 0 : i32
      %dma_wait3A_54 = arith.constant 0 : i32
      %dma_wait3A_55 = tpu.memref_slice %arg15[%dma_wait3A, %dma_wait3A_54] : memref<80x128xf32, #tpu.memory_space<vmem_shared>> -> memref<80x128xf32, #tpu.memory_space<vmem_shared>>
      tpu.wait_indirect_dma semaphore(%run_scoped3A : memref<!tpu.dma_semaphore, #tpu.memory_space<semaphore_mem>>) src(%arg12 : memref<80x128xf32, #tpu.memory_space<vmem>>) dst(%dma_wait3A_55 : memref<80x128xf32, #tpu.memory_space<vmem_shared>>)
      tpu.yield
    }) : () -> ()
    %barrier3A_46 = arith.constant 0 : index
    tpu.barrier barrier_id(%barrier3A_46)
    "tpu.region"() ({
      %run_scoped3A = tpu.sem_alloc : memref<!tpu.dma_semaphore, #tpu.memory_space<semaphore_mem>>
      %dma_start3A = arith.constant 0 : i32
      %dma_start3A_52 = tpu.memref_slice %arg6[%arg0, %mul3A_38, %dma_start3A] : memref<2x10112x128xf32, #tpu.memory_space<hbm>> -> memref<1x632x128xf32, #tpu.memory_space<hbm>>
      %dma_start3A_53 = tpu.memref_squeeze %dma_start3A_52 : memref<1x632x128xf32, #tpu.memory_space<hbm>> -> memref<632x128xf32, #tpu.memory_space<hbm>>
      %dma_start3A_54 = arith.constant 0 : i32
      %dma_start3A_55 = tpu.memref_slice %arg14[%mul3A_38, %dma_start3A_54] : memref<10112x128xf32, #tpu.memory_space<vmem_shared>> -> memref<632x128xf32, #tpu.memory_space<vmem_shared>>
      tpu.enqueue_dma source(%dma_start3A_55 : memref<632x128xf32, #tpu.memory_space<vmem_shared>>) target(%dma_start3A_53 : memref<632x128xf32, #tpu.memory_space<hbm>>) target_semaphore(%run_scoped3A : memref<!tpu.dma_semaphore, #tpu.memory_space<semaphore_mem>>)
      %dma_wait3A = arith.constant 0 : i32
      %dma_wait3A_56 = tpu.memref_slice %arg6[%arg0, %mul3A_38, %dma_wait3A] : memref<2x10112x128xf32, #tpu.memory_space<hbm>> -> memref<1x632x128xf32, #tpu.memory_space<hbm>>
      %dma_wait3A_57 = tpu.memref_squeeze %dma_wait3A_56 : memref<1x632x128xf32, #tpu.memory_space<hbm>> -> memref<632x128xf32, #tpu.memory_space<hbm>>
      %dma_wait3A_58 = arith.constant 0 : i32
      %dma_wait3A_59 = tpu.memref_slice %arg14[%mul3A_38, %dma_wait3A_58] : memref<10112x128xf32, #tpu.memory_space<vmem_shared>> -> memref<632x128xf32, #tpu.memory_space<vmem_shared>>
      tpu.wait_dma2 semaphore(%run_scoped3A : memref<!tpu.dma_semaphore, #tpu.memory_space<semaphore_mem>>) src(%dma_wait3A_59 : memref<632x128xf32, #tpu.memory_space<vmem_shared>>) dst(%dma_wait3A_57 : memref<632x128xf32, #tpu.memory_space<hbm>>)
      tpu.yield
    }) : () -> ()
    %eq3A_47 = arith.constant 0 : i32
    %eq3A_48 = arith.cmpi eq, %arg1, %eq3A_47 : i32
    %convert_element_type3A_49 = arith.extui %eq3A_48 : i1 to i32
    %cond3A_50 = arith.constant 0 : i32
    %cond3A_51 = arith.cmpi ne, %convert_element_type3A_49, %cond3A_50 : i32
    scf.if %cond3A_51 {
      "tpu.region"() ({
        %run_scoped3A = tpu.sem_alloc : memref<!tpu.dma_semaphore, #tpu.memory_space<semaphore_mem>>
        %dma_start3A = arith.constant 0 : i32
        %dma_start3A_52 = arith.constant 0 : i32
        %dma_start3A_53 = tpu.memref_slice %arg7[%arg0, %dma_start3A, %dma_start3A_52] : memref<2x80x128xf32, #tpu.memory_space<hbm>> -> memref<1x80x128xf32, #tpu.memory_space<hbm>>
        %dma_start3A_54 = tpu.memref_squeeze %dma_start3A_53 : memref<1x80x128xf32, #tpu.memory_space<hbm>> -> memref<80x128xf32, #tpu.memory_space<hbm>>
        tpu.enqueue_dma source(%arg15 : memref<80x128xf32, #tpu.memory_space<vmem_shared>>) target(%dma_start3A_54 : memref<80x128xf32, #tpu.memory_space<hbm>>) target_semaphore(%run_scoped3A : memref<!tpu.dma_semaphore, #tpu.memory_space<semaphore_mem>>)
        %dma_wait3A = arith.constant 0 : i32
        %dma_wait3A_55 = arith.constant 0 : i32
        %dma_wait3A_56 = tpu.memref_slice %arg7[%arg0, %dma_wait3A, %dma_wait3A_55] : memref<2x80x128xf32, #tpu.memory_space<hbm>> -> memref<1x80x128xf32, #tpu.memory_space<hbm>>
        %dma_wait3A_57 = tpu.memref_squeeze %dma_wait3A_56 : memref<1x80x128xf32, #tpu.memory_space<hbm>> -> memref<80x128xf32, #tpu.memory_space<hbm>>
        tpu.wait_dma2 semaphore(%run_scoped3A : memref<!tpu.dma_semaphore, #tpu.memory_space<semaphore_mem>>) src(%arg15 : memref<80x128xf32, #tpu.memory_space<vmem_shared>>) dst(%dma_wait3A_57 : memref<80x128xf32, #tpu.memory_space<hbm>>)
        tpu.yield
      }) : () -> ()
    } else {
    }
    return
  }
}

module attributes {stable_mosaic.version = 14 : i64} {
  func.func @tc_kernel(%arg0: i32, %arg1: memref<1000x128xf32, #tpu.memory_space<vmem>>, %arg2: memref<1000x128xf32, #tpu.memory_space<vmem>>, %arg3: memref<1000x128xf32, #tpu.memory_space<vmem>>, %arg4: memref<1000x1xf32, #tpu.memory_space<vmem>>, %arg5: memref<1000x1xf32, #tpu.memory_space<vmem>>, %arg6: memref<128x128xf32, #tpu.memory_space<vmem>>, %arg7: memref<1x128xf32, #tpu.memory_space<vmem>>, %arg8: memref<256x128xf32, #tpu.memory_space<vmem>>, %arg9: memref<1x128xf32, #tpu.memory_space<vmem>>, %arg10: memref<1000x128xf32, #tpu.memory_space<vmem>>) attributes {dimension_semantics = [#tpu.dimension_semantics<arbitrary>], iteration_bounds = array<i64: 10>, scalar_prefetch = 0 : i64, scratch_operands = 0 : i64, tpu.core_type = #tpu.core_type<tc>, window_params = [{transform_indices = @transform_0, window_bounds = array<i64: 1000, 128>}, {transform_indices = @transform_1, window_bounds = array<i64: 1000, 128>}, {transform_indices = @transform_2, window_bounds = array<i64: 1000, 128>}, {transform_indices = @transform_3, window_bounds = array<i64: 1000, 1>}, {transform_indices = @transform_4, window_bounds = array<i64: 1000, 1>}, {pipeline_mode = #tpu.pipeline_mode<synchronous>, transform_indices = @transform_5, window_bounds = array<i64: 128, 128>}, {pipeline_mode = #tpu.pipeline_mode<synchronous>, transform_indices = @transform_6, window_bounds = array<i64: 1, 128>}, {pipeline_mode = #tpu.pipeline_mode<synchronous>, transform_indices = @transform_7, window_bounds = array<i64: 256, 128>}, {pipeline_mode = #tpu.pipeline_mode<synchronous>, transform_indices = @transform_8, window_bounds = array<i64: 1, 128>}, {transform_indices = @transform_9, window_bounds = array<i64: 1000, 128>}]} {
    %get3A = arith.constant 0 : index
    %get3A_0 = arith.constant 0 : index
    %get3A_1 = vector.load %arg4[%get3A, %get3A_0] : memref<1000x1xf32, #tpu.memory_space<vmem>>, vector<1000x1xf32>
    %get3A_2 = arith.constant 0 : index
    %get3A_3 = arith.constant 0 : index
    %get3A_4 = vector.load %arg5[%get3A_2, %get3A_3] : memref<1000x1xf32, #tpu.memory_space<vmem>>, vector<1000x1xf32>
    %add3A = arith.addf %get3A_1, %get3A_4 : vector<1000x1xf32>
    %max3A = arith.constant 1.000000e+00 : f32
    %max3A_5 = vector.broadcast %max3A : f32 to vector<1000x1xf32>
    %max3A_6 = arith.maximumf %add3A, %max3A_5 : vector<1000x1xf32>
    %get3A_7 = arith.constant 0 : index
    %get3A_8 = arith.constant 0 : index
    %get3A_9 = vector.load %arg2[%get3A_7, %get3A_8] : memref<1000x128xf32, #tpu.memory_space<vmem>>, vector<1000x128xf32>
    %get3A_10 = arith.constant 0 : index
    %get3A_11 = arith.constant 0 : index
    %get3A_12 = vector.load %arg3[%get3A_10, %get3A_11] : memref<1000x128xf32, #tpu.memory_space<vmem>>, vector<1000x128xf32>
    %add3A_13 = arith.addf %get3A_9, %get3A_12 : vector<1000x128xf32>
    %get3A_14 = arith.constant 0 : index
    %get3A_15 = arith.constant 0 : index
    %get3A_16 = vector.load %arg6[%get3A_14, %get3A_15] : memref<128x128xf32, #tpu.memory_space<vmem>>, vector<128x128xf32>
    %dot_general3A = arith.constant dense<0.000000e+00> : vector<1000x128xf32>
    %dot_general3A_17 = tpu.matmul %add3A_13, %get3A_16, %dot_general3A {dimension_numbers = #tpu.dot_dimension_numbers<[1], [0], [0], [1], [0, 0, 1, 1], [], []>, transpose_lhs_hint = false} : vector<1000x128xf32>, vector<128x128xf32>, vector<1000x128xf32> -> vector<1000x128xf32>
    %get3A_18 = arith.constant 0 : index
    %get3A_19 = arith.constant 0 : index
    %get3A_20 = vector.load %arg7[%get3A_18, %get3A_19] : memref<1x128xf32, #tpu.memory_space<vmem>>, vector<1x128xf32>
    %mul3A = vector.broadcast %add3A : vector<1000x1xf32> to vector<1000x128xf32>
    %mul3A_21 = vector.broadcast %get3A_20 : vector<1x128xf32> to vector<1000x128xf32>
    %mul3A_22 = arith.mulf %mul3A, %mul3A_21 : vector<1000x128xf32>
    %add3A_23 = arith.addf %dot_general3A_17, %mul3A_22 : vector<1000x128xf32>
    %div3A = vector.broadcast %max3A_6 : vector<1000x1xf32> to vector<1000x128xf32>
    %div3A_24 = arith.divf %add3A_23, %div3A : vector<1000x128xf32>
    %get3A_25 = arith.constant 0 : index
    %get3A_26 = arith.constant 0 : index
    %get3A_27 = vector.load %arg8[%get3A_25, %get3A_26] : memref<256x128xf32, #tpu.memory_space<vmem>>, vector<256x128xf32>
    %get3A_28 = arith.constant 0 : index
    %get3A_29 = arith.constant 0 : index
    %get3A_30 = vector.load %arg1[%get3A_28, %get3A_29] : memref<1000x128xf32, #tpu.memory_space<vmem>>, vector<1000x128xf32>
    %slice3A = vector.extract_strided_slice %get3A_27 {offsets = [0, 0], sizes = [128, 128], strides = [1, 1]} : vector<256x128xf32> to vector<128x128xf32>
    %dot_general3A_31 = arith.constant dense<0.000000e+00> : vector<1000x128xf32>
    %dot_general3A_32 = tpu.matmul %get3A_30, %slice3A, %dot_general3A_31 {dimension_numbers = #tpu.dot_dimension_numbers<[1], [0], [0], [1], [0, 0, 1, 1], [], []>, transpose_lhs_hint = false} : vector<1000x128xf32>, vector<128x128xf32>, vector<1000x128xf32> -> vector<1000x128xf32>
    %slice3A_33 = vector.extract_strided_slice %get3A_27 {offsets = [128, 0], sizes = [128, 128], strides = [1, 1]} : vector<256x128xf32> to vector<128x128xf32>
    %dot_general3A_34 = arith.constant dense<0.000000e+00> : vector<1000x128xf32>
    %dot_general3A_35 = tpu.matmul %div3A_24, %slice3A_33, %dot_general3A_34 {dimension_numbers = #tpu.dot_dimension_numbers<[1], [0], [0], [1], [0, 0, 1, 1], [], []>, transpose_lhs_hint = false} : vector<1000x128xf32>, vector<128x128xf32>, vector<1000x128xf32> -> vector<1000x128xf32>
    %add3A_36 = arith.addf %dot_general3A_32, %dot_general3A_35 : vector<1000x128xf32>
    %get3A_37 = arith.constant 0 : index
    %get3A_38 = arith.constant 0 : index
    %get3A_39 = vector.load %arg9[%get3A_37, %get3A_38] : memref<1x128xf32, #tpu.memory_space<vmem>>, vector<1x128xf32>
    %add3A_40 = vector.broadcast %get3A_39 : vector<1x128xf32> to vector<1000x128xf32>
    %add3A_41 = arith.addf %add3A_36, %add3A_40 : vector<1000x128xf32>
    %swap3A = arith.constant 0 : index
    %swap3A_42 = arith.constant 0 : index
    %swap3A_43 = vector.load %arg10[%swap3A, %swap3A_42] : memref<1000x128xf32, #tpu.memory_space<vmem>>, vector<1000x128xf32>
    tpu.vector_store %arg10[%swap3A, %swap3A_42], %add3A_41 {strides = array<i32>} : memref<1000x128xf32, #tpu.memory_space<vmem>>, vector<1000x128xf32>,
    return
  }
  func.func @transform_0(%arg0: i32) -> (i32, i32) {
    %c0_i32 = arith.constant 0 : i32
    %c0_i32_0 = arith.constant 0 : i32
    return %arg0, %c0_i32 : i32, i32
  }
  func.func @transform_1(%arg0: i32) -> (i32, i32) {
    %c0_i32 = arith.constant 0 : i32
    %c0_i32_0 = arith.constant 0 : i32
    return %arg0, %c0_i32 : i32, i32
  }
  func.func @transform_2(%arg0: i32) -> (i32, i32) {
    %c0_i32 = arith.constant 0 : i32
    %c0_i32_0 = arith.constant 0 : i32
    return %arg0, %c0_i32 : i32, i32
  }
  func.func @transform_3(%arg0: i32) -> (i32, i32) {
    %c0_i32 = arith.constant 0 : i32
    %c0_i32_0 = arith.constant 0 : i32
    return %arg0, %c0_i32 : i32, i32
  }
  func.func @transform_4(%arg0: i32) -> (i32, i32) {
    %c0_i32 = arith.constant 0 : i32
    %c0_i32_0 = arith.constant 0 : i32
    return %arg0, %c0_i32 : i32, i32
  }
  func.func @transform_5(%arg0: i32) -> (i32, i32) {
    %c0_i32 = arith.constant 0 : i32
    %c0_i32_0 = arith.constant 0 : i32
    %c0_i32_1 = arith.constant 0 : i32
    return %c0_i32, %c0_i32_0 : i32, i32
  }
  func.func @transform_6(%arg0: i32) -> (i32, i32) {
    %c0_i32 = arith.constant 0 : i32
    %c0_i32_0 = arith.constant 0 : i32
    %c0_i32_1 = arith.constant 0 : i32
    return %c0_i32, %c0_i32_0 : i32, i32
  }
  func.func @transform_7(%arg0: i32) -> (i32, i32) {
    %c0_i32 = arith.constant 0 : i32
    %c0_i32_0 = arith.constant 0 : i32
    %c0_i32_1 = arith.constant 0 : i32
    return %c0_i32, %c0_i32_0 : i32, i32
  }
  func.func @transform_8(%arg0: i32) -> (i32, i32) {
    %c0_i32 = arith.constant 0 : i32
    %c0_i32_0 = arith.constant 0 : i32
    %c0_i32_1 = arith.constant 0 : i32
    return %c0_i32, %c0_i32_0 : i32, i32
  }
  func.func @transform_9(%arg0: i32) -> (i32, i32) {
    %c0_i32 = arith.constant 0 : i32
    %c0_i32_0 = arith.constant 0 : i32
    return %arg0, %c0_i32 : i32, i32
  }
}

</mosaic_0001>

<sc_bundles>
// kernel: kernel.4.cloned.1.call-start
scs
__scs_entry_jumppad:
0x0: {  	(pc) =	sbr.rel $0x88, $3  }
0x1: {  	(tag) =	ssettag $0x0;
	lr =	simm.s32 $0x1  }
0x2: {  	[smem:$0x3F9B] =	sst lr;
	_ =	strace $0xD0000000  }
0x3: {  	_ = 	snop  }
0x4: {  	_ = 	snop  }
0x5: {  	_ = 	snop  }
0x6: {  	_ = 	snop  }
0x7: {  	_ = 	snop  }
__scs_overlays_trampoline_lowered:
0x8: {  	[smem:$0x3FAA] =	sst s0  }
0x9: {  	[smem:$0x3FAB] =	sst s1  }
0xa: {  	[smem:$0x3FAC] =	sst s2  }
0xb: {  	[smem:$0x3FAD] =	sst s3  }
0xc: {  	[smem:$0x3FAE] =	sst s4  }
0xd: {  	[smem:$0x3FAF] =	sst s5  }
0xe: {  	[smem:$0x3FB0] =	sst s6  }
0xf: {  	[smem:$0x3FB1] =	sst s7  }
0x10: {  	[smem:$0x3FB2] =	sst s8  }
0x11: {  	[smem:$0x3FB3] =	sst s9;
	s0 =	simm.s32 @!p0 $0x0  }
0x12: {  	s1 =	sld [smem:$0x3F99];
	s0 =	simm.s32 @p0 $0x1  }
0x13: {  	[smem:$0x3FB4] =	sst s0;
	s0 =	simm.s32 @!p1 $0x0  }
0x14: {  	s2 =	sld [smem:$0x3F98];
	s0 =	simm.s32 @p1 $0x1  }
0x15: {  	[smem:$0x3FB5] =	sst s0;
	s0 =	simm.s32 @!p2 $0x0  }
0x16: {  	s3 =	sld [smem:$0x3FDB];
	s0 =	simm.s32 @p2 $0x1  }
0x17: {  	s4 =	simm.s32 $0x1BF5;
	[smem:$0x3FB7] =	sst s0  }
0x18: {  	s0 =	sld [smem:$0x3F9A];
	_ =	swait.ge [sflag:s4], $0x0  }
0x19: {  	s7 =	sld [smem:$0x3F9B]  }
0x1a: {  	s8 =	sadd.s32 $0xFFFFE003, lr  }
0x1b: {  	s9 =	sadd.s32 $0xFFFFFEF7, lr;
	s5 =	simm.s32 $0xFFFFFFFF;
	p2 =	slt.u32 s8, $0xFFFFF086  }
0x1c: {  	p1 =	slt.u32 s9, $0xF7A;
	s5 =	simm.s32 @!p2 $0x0  }
0x1d: {  	s5 =	simm.s32 @p1 $0x1;
	p0 =	seq.s32 s7, s2  }
0x1e: {  	s7 =	smul.u32 @!p0 $0xF7A, s2;
	p2 =	seq.s32 @!p0 s5, $0x0  }
0x1f: {  	s9 =	smul.u32 $0xF7A, s1;
	s8 =	simm.s32 @!p0 $0x1BF5;
	p2 =	por !p2, p0  }
0x20: {  	[sflag:s8] =	ssyncset.s32 @!p0 $0xFFFFF086;
	s6 =	sadd.s32 @!p0 s3, s7;
	s7 =	simm.s32 @!p0 $0x108  }
0x21: {  	s3 =	sadd.s32 s3, s9;
	s6 =	sadd.s32 @!p0 $0x88, s6;
	s7 =	simm.s32 @p2 $0x1082  }
0x22: {  	[simem:s7], [sflag:s8] =	dma.local @!p0 [hbm:s6], $0xF7A  }
0x23: {  	s9 =	sor.u32 $0xD0000000, s2;
	s6 =	simm.s32 $0x108;
	_ =	swait.ge @!p0 [sflag:s8], $0x0  }
0x24: {  	s3 =	sadd.s32 $0x88, s3;
	s6 =	simm.s32 @!p1 $0x1082;
	[sflag:s4] =	ssyncset.s32 $0xFFFFF086  }
0x25: {  	[simem:s6], [sflag:s4] =	dma.local [hbm:s3], $0xF7A  }
0x26: {  	[smem:$0x3F9B] =	sst s1;
	(tag) =	ssettag s2;
	_ =	strace s9  }
0x27: {  	s1 =	sld [smem:$0x3FAB]  }
0x28: {  	s2 =	sld [smem:$0x3FAC]  }
0x29: {  	s4 =	sld [smem:$0x3FAE]  }
0x2a: {  	p0 =	seq.s32 s5, $0x0;
	s5 =	sld [smem:$0x3FAF]  }
0x2b: {  	s6 =	sld [smem:$0x3FB0]  }
0x2c: {  	s7 =	sld [smem:$0x3FB1]  }
0x2d: {  	s3 =	simm.s32 $0x108;
	s8 =	sld [smem:$0x3FB2]  }
0x2e: {  	s3 =	simm.s32 @!p0 $0x1082;
	s9 =	sld [smem:$0x3FB3]  }
0x2f: {  	lr =	sadd.s32 s0, s3;
	s0 =	sld [smem:$0x3FAA]  }
0x30: {  	s3 =	sld [smem:$0x3FAD]  }
0x31: {  	[smem:$0x3FB6] =	sst s10  }
0x32: {  	s10 =	sld [smem:$0x3FB4];
	_ =	sdelay $0x3  }
0x33: {  	p0 =	seq.s32 s10, $0x1;
	s10 =	sld [smem:$0x3FB6];
	_ =	sdelay $0x3  }
0x34: {  	[smem:$0x3FB6] =	sst s10  }
0x35: {  	s10 =	sld [smem:$0x3FB5];
	_ =	sdelay $0x3  }
0x36: {  	p1 =	seq.s32 s10, $0x1;
	s10 =	sld [smem:$0x3FB6];
	_ =	sdelay $0x3  }
0x37: {  	[smem:$0x3FB6] =	sst s10  }
0x38: {  	s10 =	sld [smem:$0x3FB7]  }
0x39: {  	_ = 	snop;
	(pc) =	sbr.ind lr, $3  }
0x3a: {  	_ = 	snop  }
0x3b: {  	_ = 	snop  }
0x3c: {  	p2 =	seq.s32 s10, $0x1;
	s10 =	sld [smem:$0x3FB6]  }
0x3d: {  	_ =	shalt  }
0x3e: {  	_ =	shalt  }
0x3f: {  	_ =	shalt  }
0x40: {  	_ =	shalt  }
0x41: {  	_ =	shalt  }
0x42: {  	_ =	shalt  }
0x43: {  	_ =	shalt  }
0x44: {  	_ =	shalt  }
0x45: {  	_ =	shalt  }
0x46: {  	_ =	shalt  }
0x47: {  	_ =	shalt  }
0x48: {  	_ =	shalt  }
0x49: {  	_ =	shalt  }
0x4a: {  	_ =	shalt  }
0x4b: {  	_ =	shalt  }
0x4c: {  	_ =	shalt  }
0x4d: {  	_ =	shalt  }
0x4e: {  	_ =	shalt  }
0x4f: {  	_ =	shalt  }
0x50: {  	_ =	shalt  }
0x51: {  	_ =	shalt  }
0x52: {  	_ =	shalt  }
0x53: {  	_ =	shalt  }
0x54: {  	_ =	shalt  }
0x55: {  	_ =	shalt  }
0x56: {  	_ =	shalt  }
0x57: {  	_ =	shalt  }
0x58: {  	_ =	shalt  }
0x59: {  	_ =	shalt  }
0x5a: {  	_ =	shalt  }
0x5b: {  	_ =	shalt  }
0x5c: {  	_ =	shalt  }
0x5d: {  	_ =	shalt  }
0x5e: {  	_ =	shalt  }
0x5f: {  	_ =	shalt  }
0x60: {  	_ =	shalt  }
0x61: {  	_ =	shalt  }
0x62: {  	_ =	shalt  }
0x63: {  	_ =	shalt  }
0x64: {  	_ =	shalt  }
0x65: {  	_ =	shalt  }
0x66: {  	_ =	shalt  }
0x67: {  	_ =	shalt  }
0x68: {  	_ =	shalt  }
0x69: {  	_ =	shalt  }
0x6a: {  	_ =	shalt  }
0x6b: {  	_ =	shalt  }
0x6c: {  	_ =	shalt  }
0x6d: {  	_ =	shalt  }
0x6e: {  	_ =	shalt  }
0x6f: {  	_ =	shalt  }
0x70: {  	_ =	shalt  }
0x71: {  	_ =	shalt  }
0x72: {  	_ =	shalt  }
0x73: {  	_ =	shalt  }
0x74: {  	_ =	shalt  }
0x75: {  	_ =	shalt  }
0x76: {  	_ =	shalt  }
0x77: {  	_ =	shalt  }
0x78: {  	_ =	shalt  }
0x79: {  	_ =	shalt  }
0x7a: {  	_ =	shalt  }
0x7b: {  	_ =	shalt  }
0x7c: {  	_ =	shalt  }
0x7d: {  	_ =	shalt  }
0x7e: {  	_ =	shalt  }
0x7f: {  	_ =	shalt  }
0x80: {  	_ =	shalt  }
0x81: {  	_ =	shalt  }
0x82: {  	_ =	shalt  }
0x83: {  	_ =	shalt  }
0x84: {  	_ =	shalt  }
0x85: {  	_ =	shalt  }
0x86: {  	_ =	shalt  }
0x87: {  	_ =	shalt  }
.Lfunc_end0:
.L_simem_size_0:
called_computation_lowered:
.L_overlay_start_0:
0x88: {  	s2 =	sld [smem:$0x3FD9]  }
0x89: {  	s3 =	sld [smem:$0x3FFE];
	_ =	sdelay $0x1  }
0x8a: {  	s1 =	srdreg.scid  }
0x8b: {  	s0 =	sand.u32 $0x1, s1  }
0x8c: {  	s17 =	sshll.u32 s0, $0xA;
	s2 =	sadd.s32 s3, s2  }
0x8d: {  	s2 =	sadd.s32 s2, s17  }
0x8e: {  	[smem:$0x3FC2] =	sst s2  }
0x8f: {  	_ = 	snop  }
0x90: {  	s2 =	sld [smem:$0x3FC9]  }
0x91: {  	s18 =	sld [smem:$0x3FD0];
	(tm) =	ssettm $0x1  }
0x92: {  	s4 =	sld [smem:$0x3FFB];
	_ =	sdelay $0x3  }
0x93: {  	_ =	strace s4  }
0x94: {  	s4 =	sld [smem:$0x3FFC];
	_ =	sdelay $0x3  }
0x95: {  	_ =	strace s4  }
0x96: {  	s4 =	sld [smem:$0x3FFD];
	_ =	sdelay $0x3  }
0x97: {  	_ =	strace s4  }
0x98: {  	_ =	strace $0x8FFFFFFF  }
0x99: {  	s19 =	sld [smem:$0x3FDB];
	_ =	sdelay $0x1  }
0x9a: {  	s5 =	simm.s32 $_scs_section_size  }
0x9b: {  	s6 =	simm.s32 $_size__tile_overlayer_lowered;
	s7 =	simm.s32 $_tile_overlayer_lowered  }
0x9c: {  	s22 =	simm.s32 $0x1BFF;
	s21 =	sshll.u32 s7, $0x1;
	s4 =	sadd.s32 s5, s19  }
0x9d: {  	s8 =	simm.s32 $0x0;
	s20 =	sshll.u32 s6, $0x1;
	s6 =	sadd.s32 s21, s4  }
0x9e: {  	[timem:s8], [sflag:s22] =	dma.local [hbm:s6], s20  }
0x9f: {  	_ =	swait.ge [sflag:s22], s20  }
0xa0: {  	s5 =	ssub.s32 $0x0, s20;
	[sflag:s22] =	ssyncset.done $0x0  }
0xa1: {  	[sflag:s22] =	ssyncadd.s32 s5;
	_ =	sdelay $0x1  }
0xa2: {  	s23 =	simm.s32 $0x1B8B  }
0xa3: {  	_ =	swait.ge [sflag:s23], $0x1  }
0xa4: {  	[sflag:s23] =	ssyncset.done $0x0  }
0xa5: {  	s25 =	simm.s32 $0x1B8E;
	s24 =	sld [smem:$0x3FFE];
	[sflag:s23] =	ssyncadd.s32 $0xFFFFFFFF  }
0xa6: {  	s26 =	simm.s32 $execute0_lowered;
	[smem:$0x3FD2] =	sst s25  }
0xa7: {  	s6 =	sshll.u32 s26, $0x1;
	_ =	strace $0x80000046;
	[dreg:$0x1] =	wrdreg $0xFFFFFFFF  }
0xa8: {  	s28 =	simm.s32 $_size_execute0_lowered;
	s4 =	sadd.s32 s4, s6;
	[dreg:$0x0] =	wrdreg $0x0  }
0xa9: {  	s6 =	sshll.u32 s28, $0x1;
	[dreg:$0x2] =	wrdreg s4  }
0xaa: {  	[dreg:$0x3] =	wrdreg s6  }
0xab: {  	[dreg:$0x4] =	wrdreg $0xC0  }
0xac: {  	_ =	task [dreg:s8], $0x5FFFF  }
0xad: {  	[dreg:$0x1] =	wrdreg $0xFFFFFFFF  }
0xae: {  	[dreg:$0x0] =	wrdreg $0x60  }
0xaf: {  	[dreg:$0x2] =	wrdreg s2  }
0xb0: {  	[dreg:$0x3] =	wrdreg s18  }
0xb1: {  	[dreg:$0x4] =	wrdreg s24  }
0xb2: {  	[dreg:$0x5] =	wrdreg $0x91800  }
0xb3: {  	[dreg:$0x6] =	wrdreg $0x1CD800  }
0xb4: {  	[dreg:$0x7] =	wrdreg $0x9  }
0xb5: {  	_ =	task.clear_ibuf [dreg:s8], $0x8FFFF;
	_ =	strace $0x90000046  }
0xb6: {  	s29 =	simm.s32 $0x9;
	_ =	strace $0x80000048  }
0xb7: {  	_ =	swait.ge [sflag:s29], $0x1  }
0xb8: {  	[sflag:s29] =	ssyncadd.s32 $0xFFFFFFFF  }
0xb9: {  	_ =	strace $0x90000048  }
0xba: {  	_ =	sfence  }
0xbb: {  	s30 =	sld [smem:$0x0];
	_ =	sdelay $0x2  }
0xbc: {  	s31 =	sshll.u32 s1, $0xD;
	s1 =	sshrl.u32 s1, $0x2  }
0xbd: {  	s3 =	sand.u32 $0x4000, s31;
	s1 =	sadd.s32 s1, s30  }
0xbe: {  	s0 =	sor.u32 s3, s0;
	s1 =	sshll.u32 s1, $0x11  }
0xbf: {  	s0 =	sor.u32 s1, s0  }
0xc0: {  	s0 =	sadd.s32 $0x8F2B, s0  }
0xc1: {  	[sflag:s0] =	ssyncadd.remote.s32 $0x1  }
0xc2: {  	_ =	sfence.sel $0xFFFF  }
0xc3: {  	[dreg:$0x0] =	wrdreg $0xFFFFFFFF;
	(pc) =	sbr.abs _section_cstart, $3  }
0xc4: {  	[dreg:$0x1] =	wrdreg $0xFFFFFFFF  }
0xc5: {  	_ =	task.clear_ibuf [dreg:s8], $0x2FFFF;
	_ =	strace $0x9FFFFFFF  }
0xc6: {  	(tm) =	ssettm $0x7FFFFFFF  }
0xc7: {  	_ =	shalt  }
tec
execute0_lowered:
.L_overlay_start_1:
0x0: {  	(tag) =	ssettag $0x1  }
0x1: {  	s1 =	rddreg [dreg:$0x0]  }
0x2: {  	s6 =	rddreg [dreg:$0x1]  }
0x3: {  	s7 =	rddreg [dreg:$0x2]  }
0x4: {  	s2 =	rddreg [dreg:$0x3]  }
0x5: {  	s3 =	rddreg [dreg:$0x4];
	s4 =	simm.s32 $0x0  }
0x6: {  	[smem:$0x7FF] =	sst s4  }
0x7: {  	s0 =	rddreg [dreg:$0x5];
	v0 =	vimm.s32 $0x0;
	_ =	strace $0x80000047  }
0x8: {  	(xrf1) =	vunique.msk.u32 $0xffff, v0;
	_ =	sdelay $0xd  }
0x9: {  	_, v0, _ =	vpop (xrf1)  }
0xa: {  	v0 =	vxor.u32 $0x80000000, v0  }
0xb: {  	(xrf0) =	vmax.scan.msk.u32 $0xffff, v0;
	_ =	sdelay $0x5  }
0xc: {  	v0, _, _ =	vpop (xrf0)  }
0xd: {  	(v2sf) =	vpush v0, $0xF;
	_ =	sdelay $0x3  }
0xe: {  	s12 =	stileid.u32;
	s5 =	srdreg.scid;
	s16 =	simm.s32 $0x80  }
0xf: {  	s17 =	simm.s32 $0x2800;
	s19 =	simm.s32 $0x1;
	s20 =	simm.s32 $0x2880  }
0x10: {  	s21 =	simm.s32 $0x50;
	s22 =	simm.s32 $0x9100;
	s23 =	simm.s32 $0x0  }
0x11: {  	s8 =	smul.u32 $0x13C00, s12;
	s9 =	sand.u32 $0x1, s5;
	s5 =	sadd.s32 $0x1A00, s7  }
0x12: {  	s13 =	sshll.u32 s12, $0x1;
	s15 =	smul.u32 $0x4F000, s12;
	p0 =	sne.s32 s12, $0x0  }
0x13: {  	s31 =	sshll.u32 s12, $0x6;
	s12 =	simm.s32 $0x6900;
	s10 =	smul.u32 $0x13C000, s9  }
0x14: {  	s28 =	smul.u32 $0x500, s9;
	s13 =	sor.u32 s9, s13;
	s9 =	ssub.s32 $0x2, s9  }
0x15: {  	s26 =	sshrl.u32 s8, $0x3;
	s13 =	smul.u32 $0x500, s13;
	s14 =	sshrl.u32 s9, $0x1  }
0x16: {  	s30 =	sshrl.u32 s15, $0x2;
	s11 =	sadd.s32 s26, s7;
	s8 =	sadd.s32 s8, s10  }
0x17: {  	s10 =	sadd.s32 s28, s7;
	s14 =	ssub.s32 s9, s14;
	s15 =	sadd.s32 s30, s2  }
0x18: {  	s8 =	sshrl.u32 s8, $0x3;
	s6 =	sadd.s32 s6, s13;
	s9 =	sadd.s32 $0x78800, s10  }
0x19: {  	s10 =	smax.u32 s14, $0x1;
	s13 =	sor.u32 $0x1C02, s31;
	s29 =	spop (v2sf)  }
0x1a: {  	s14 =	sshrl.u32 s15, $0x3;
	s8 =	sadd.s32 s8, s7;
	v0 =	vlaneseq.u32;
	s7 =	sxor.u32 $0x80000000, s29  }
0x1b: {  	s15 =	sshrl.u32 @!p0 s3, $0x3;
	s8 =	sadd.s32 $0x29800, s8;
	v2 =	vor.u32 $0x10, v0;
	v3 =	vor.u32 $0x20, v0;
	s18 =	ssub.s32 $0x10, s7  }
0x1c: {  	v4 =	vor.u32 $0x30, v0;
	v5 =	vor.u32 $0x40, v0;
	s7 =	sadd.s32 $0x2000, s11;
	s11 =	simm.s32 $0x2;
	v1 =	vmov s18;
	s18 =	simm.s32 $0x2900  }
.LBB2_1:
0x1d: {  	[tilespmem:s4], [sflag:$0x2] =	stream.linear.gather [hbm4b:s6+s4], $0x2800, $0x38;
	[tilespmem:$0x1D000] =	vst v63  }
0x1e: {  	_ =	swait.ge [sflag:s11], $0x2800  }
0x1f: {  	[sflag:s11] =	ssyncset.done $0x0  }
0x20: {  	[sflag:s11] =	ssyncadd.s32 $0xFFFFD800  }
0x21: {  	[tilespmem:s12], [sflag:$0x2] =	stream.linear.gather [hbm4b:s5+s4], $0x2800, $0x38;
	[tilespmem:$0x1D000] =	vst v63  }
0x22: {  	_ =	swait.ge [sflag:s11], $0x2800  }
0x23: {  	[sflag:s11] =	ssyncset.done $0x0  }
0x24: {  	[sflag:s11] =	ssyncadd.s32 $0xFFFFD800  }
0x25: {  	[tilespmem:$0x9100] =	vst v0  }
0x26: {  	[tilespmem:$0x9110] =	vst v2  }
0x27: {  	[tilespmem:$0x9120] =	vst v3  }
0x28: {  	[tilespmem:$0x9130] =	vst v4  }
0x29: {  	[tilespmem:$0x9140] =	vst v5  }
0x2a: {  	[spmem:s14], [sflag:s13] =	dma.local [hbm:s7], $0x2780  }
0x2b: {  	_ =	swait.ge [sflag:s11], $0x2780  }
0x2c: {  	[sflag:s11] =	ssyncset.done $0x0  }
0x2d: {  	s24 =	simm.s32 @!p0 $0x2;
	[sflag:s11] =	ssyncadd.s32 $0xFFFFD880  }
0x2e: {  	[spmem:s15], [sflag:s13] =	dma.local @!p0 [hbm:s5], $0x500  }
0x2f: {  	_ =	swait.ge @!p0 [sflag:s24], $0x500  }
0x30: {  	[sflag:s24] =	ssyncset.done @!p0 $0x0  }
0x31: {  	[sflag:s24] =	ssyncadd.s32 @!p0 $0xFFFFFB00  }
0x32: {  	s24 =	simm.s32 $0x0;
	[bflag:$0x0] =	sbarrier.arrive $0xFFFF  }
.LBB2_2:
0x33: {  	s25 =	sshra.s32 s24, $0x2  }
0x34: {  	v6 =	vld [tilespmem:s25+$0x0];
	_ =	sdelay $0x4  }
0x35: {  	v7 =	vshrl.u32 v6, $0x10  }
0x36: {  	(xrf1) =	vunique.msk.u32 $0xffff, v7;
	_ =	sdelay $0xd  }
0x37: {  	_, v8, vm0 =	vpop (xrf1);
	_ =	sdelay $0x2  }
0x38: {  	v6 =	vand.u32 $0xFFFF, v6;
	v8 =	vadd.s32 v1, v8  }
0x39: {  	[tilespmem:$0x2800] =	vst v6;
	v6 =	vcvt.s32.f32 v8  }
0x3a: {  	[tilespmem:$0x2880] =	vst v7  }
0x3b: {  	[tilespmem:v7+s12+$0x0] =	vst.idx.add.f32.msk vm0, v6  }
0x3c: {  	v6 =	vld [tilespmem:s25+$0x10];
	_ =	sdelay $0x4  }
0x3d: {  	v7 =	vshrl.u32 v6, $0x10  }
0x3e: {  	(xrf1) =	vunique.msk.u32 $0xffff, v7;
	_ =	sdelay $0xd  }
0x3f: {  	_, v57, vm9 =	vpop (xrf1);
	_ =	sdelay $0x2  }
0x40: {  	v6 =	vand.u32 $0xFFFF, v6;
	v8 =	vadd.s32 v1, v57  }
0x41: {  	[tilespmem:$0x2810] =	vst v6;
	v6 =	vcvt.s32.f32 v8  }
0x42: {  	[tilespmem:$0x2890] =	vst v7  }
0x43: {  	[tilespmem:v7+s12+$0x0] =	vst.idx.add.f32.msk vm9, v6  }
0x44: {  	v6 =	vld [tilespmem:s25+$0x20];
	_ =	sdelay $0x4  }
0x45: {  	v7 =	vshrl.u32 v6, $0x10  }
0x46: {  	(xrf1) =	vunique.msk.u32 $0xffff, v7;
	_ =	sdelay $0xd  }
0x47: {  	_, v58, vm10 =	vpop (xrf1);
	_ =	sdelay $0x2  }
0x48: {  	v6 =	vand.u32 $0xFFFF, v6;
	v8 =	vadd.s32 v1, v58  }
0x49: {  	[tilespmem:$0x2820] =	vst v6;
	v6 =	vcvt.s32.f32 v8  }
0x4a: {  	[tilespmem:$0x28A0] =	vst v7  }
0x4b: {  	[tilespmem:v7+s12+$0x0] =	vst.idx.add.f32.msk vm10, v6  }
0x4c: {  	v6 =	vld [tilespmem:s25+$0x30];
	_ =	sdelay $0x4  }
0x4d: {  	v7 =	vshrl.u32 v6, $0x10  }
0x4e: {  	(xrf1) =	vunique.msk.u32 $0xffff, v7;
	_ =	sdelay $0xd  }
0x4f: {  	_, v59, vm11 =	vpop (xrf1);
	_ =	sdelay $0x2  }
0x50: {  	v6 =	vand.u32 $0xFFFF, v6;
	v8 =	vadd.s32 v1, v59  }
0x51: {  	[tilespmem:$0x2830] =	vst v6;
	v6 =	vcvt.s32.f32 v8  }
0x52: {  	[tilespmem:$0x28B0] =	vst v7  }
0x53: {  	[tilespmem:v7+s12+$0x0] =	vst.idx.add.f32.msk vm11, v6  }
0x54: {  	v6 =	vld [tilespmem:s25+$0x40];
	_ =	sdelay $0x4  }
0x55: {  	v7 =	vshrl.u32 v6, $0x10  }
0x56: {  	(xrf1) =	vunique.msk.u32 $0xffff, v7;
	_ =	sdelay $0xd  }
0x57: {  	_, v60, vm12 =	vpop (xrf1);
	_ =	sdelay $0x2  }
0x58: {  	v6 =	vand.u32 $0xFFFF, v6;
	v8 =	vadd.s32 v1, v60  }
0x59: {  	[tilespmem:$0x2840] =	vst v6;
	v6 =	vcvt.s32.f32 v8  }
0x5a: {  	[tilespmem:$0x28C0] =	vst v7  }
0x5b: {  	[tilespmem:v7+s12+$0x0] =	vst.idx.add.f32.msk vm12, v6  }
0x5c: {  	v6 =	vld [tilespmem:s25+$0x50];
	_ =	sdelay $0x4  }
0x5d: {  	v7 =	vshrl.u32 v6, $0x10  }
0x5e: {  	(xrf1) =	vunique.msk.u32 $0xffff, v7;
	_ =	sdelay $0xd  }
0x5f: {  	_, v61, vm13 =	vpop (xrf1);
	_ =	sdelay $0x2  }
0x60: {  	v6 =	vand.u32 $0xFFFF, v6;
	v8 =	vadd.s32 v1, v61  }
0x61: {  	[tilespmem:$0x2850] =	vst v6;
	v6 =	vcvt.s32.f32 v8  }
0x62: {  	[tilespmem:$0x28D0] =	vst v7  }
0x63: {  	[tilespmem:v7+s12+$0x0] =	vst.idx.add.f32.msk vm13, v6  }
0x64: {  	v6 =	vld [tilespmem:s25+$0x60];
	_ =	sdelay $0x4  }
0x65: {  	v7 =	vshrl.u32 v6, $0x10  }
0x66: {  	(xrf1) =	vunique.msk.u32 $0xffff, v7;
	_ =	sdelay $0xd  }
0x67: {  	_, v62, vm14 =	vpop (xrf1);
	_ =	sdelay $0x2  }
0x68: {  	v6 =	vand.u32 $0xFFFF, v6;
	v8 =	vadd.s32 v1, v62  }
0x69: {  	[tilespmem:$0x2860] =	vst v6;
	v6 =	vcvt.s32.f32 v8  }
0x6a: {  	[tilespmem:$0x28E0] =	vst v7  }
0x6b: {  	[tilespmem:v7+s12+$0x0] =	vst.idx.add.f32.msk vm14, v6  }
0x6c: {  	v6 =	vld [tilespmem:s25+$0x70];
	_ =	sdelay $0x4  }
0x6d: {  	v7 =	vshrl.u32 v6, $0x10  }
0x6e: {  	(xrf1) =	vunique.msk.u32 $0xffff, v7;
	_ =	sdelay $0xd  }
0x6f: {  	_, v63, vm15 =	vpop (xrf1);
	_ =	sdelay $0x2  }
0x70: {  	v6 =	vand.u32 $0xFFFF, v6;
	v8 =	vadd.s32 v1, v63  }
0x71: {  	[tilespmem:$0x2870] =	vst v6;
	v6 =	vcvt.s32.f32 v8  }
0x72: {  	[tilespmem:$0x28F0] =	vst v7  }
0x73: {  	[tilespmem:v7+s12+$0x0] =	vst.idx.add.f32.msk vm15, v6  }
0x74: {  	[tilespmem:s18], [sflag:$0x1] =	stream.indirect.gather [hbm4b:s1+s16], $0x80, s17, s16, $0xb8;
	[tilespmem:$0x1D000] =	vst v63  }
0x75: {  	_ =	swait.ge [sflag:s19], $0x4000  }
0x76: {  	p1 =	sne.s32 s24, $0x9E00;
	[sflag:s19] =	ssyncset.done $0x0  }
.Ltmp0:
0x77: {  	[sflag:s19] =	ssyncadd.s32 $0xFFFFC000;
	(pc) =	sbr.rel @p1 .LBB2_2-.Ltmp0, $4  }
0x78: {  	[spmem:s2] =	stream.indirect.scatter.add.f32 [tilespmem:s18], [sflag:$0x2], $0x80, s20, s16, $0xb8;
	[tilespmem:$0x1D000] =	vst v63  }
0x79: {  	_ =	swait.ge [sflag:s11], $0x4000  }
0x7a: {  	[sflag:s11] =	ssyncset.done $0x0  }
0x7b: {  	s24 =	sadd.s32 $0x200, s24;
	[sflag:s11] =	ssyncadd.s32 $0xFFFFC000  }
0x7c: {  	[spmem:s3] =	stream.indirect.scatter.add.f32 [tilespmem:s12], [sflag:$0x2], $0x80, s22, s21, $0xb8;
	[tilespmem:$0x1D000] =	vst v63  }
0x7d: {  	_ =	swait.ge [sflag:s11], $0x2800  }
0x7e: {  	[sflag:s11] =	ssyncset.done $0x0  }
0x7f: {  	[sflag:s11] =	ssyncadd.s32 $0xFFFFD800  }
0x80: {  	[bflag:$0x0] =	sbarrier.arrive $0xFFFF  }
0x81: {  	[hbm:s8], [sflag:s13] =	dma.local [spmem:s14], $0x2780  }
0x82: {  	s23 =	sadd.s32 $0x1, s23;
	_ =	swait.ge [sflag:s11], $0x2780  }
0x83: {  	p1 =	sne.s32 s23, s10;
	[sflag:s11] =	ssyncset.done $0x0  }
.Ltmp1:
0x84: {  	s24 =	simm.s32 @!p0 $0x2;
	[sflag:s11] =	ssyncadd.s32 $0xFFFFD880;
	(pc) =	sbr.rel @p1 .LBB2_1-.Ltmp1, $4  }
0x85: {  	[hbm:s9], [sflag:s13] =	dma.local @!p0 [spmem:s15], $0x500  }
0x86: {  	_ =	swait.ge @!p0 [sflag:s24], $0x500  }
0x87: {  	[sflag:s24] =	ssyncset.done @!p0 $0x0  }
0x88: {  	[sflag:s24] =	ssyncadd.s32 @!p0 $0xFFFFFB00  }
0x89: {  	_ =	sfence.sel $0x180000  }
0x8a: {  	[bflag:$0x0] =	sbarrier.arrive $0xFFFF  }
0x8b: {  	_ =	strace $0x90000047  }
0x8c: {  	s0 =	sadd.s32 @!p0 $0x100000, s0;
	[bflag:$0x2] =	sbarrier.arrive $0xFFFF  }
0x8d: {  	[sflag:s0] =	ssyncadd.tile.s32 @!p0 $0x1;
	_ =	shalt  }
.Lfunc_end2:
_tile_overlayer_lowered:
.L_overlay_start_2:
0x8e: {  	(tag) =	ssettag $0x2  }
0x8f: {  	s0 =	rddreg [dreg:$0x0];
	s2 =	stileid.u32  }
0x90: {  	s1 =	rddreg [dreg:$0x1];
	p0 =	sne.s32 s2, $0x0  }
0x91: {  	s3 =	rddreg [dreg:$0x2];
	[bflag:$0x3] =	sbarrier.arrive $0xFFFF;
	s2 =	simm.s32 @!p0 $0x1C02  }
0x92: {  	[timem:s3], [sflag:s2] =	dma.local @!p0 [hbm:s0], s1  }
0x93: {  	s0 =	simm.s32 @!p0 $0x2  }
0x94: {  	_ =	swait.ge @!p0 [sflag:s0], s1  }
0x95: {  	s1 =	ssub.s32 @!p0 $0x0, s1;
	[sflag:s0] =	ssyncset.done @!p0 $0x0  }
0x96: {  	[sflag:s0] =	ssyncadd.s32 @!p0 s1  }
0x97: {  	[bflag:$0x3] =	sbarrier.arrive $0xFFFF  }
0x98: {  	_ =	shalt  }

</sc_bundles>
